<compile_context>
chip_gen: v7x
topology: tpu7x:2x2x1
jax: 0.10.2.dev20260603
libtpu: 0.0.44.dev20260713+nightly
codegen_flags: <defaults>
</compile_context>

<pallas_src>
import functools

import jax
import jax.numpy as jnp
from jax import lax
from jax.experimental import pallas as pl
from jax.experimental.pallas import tpu as pltpu
from jax.experimental.pallas import tpu_sc as plsc

N = 100000
IN_FEATS = 128
NCAT = 26
V = 100000
D = 16
OUT = 128
EMB_COLS = NCAT * D
GPC = V // 8

NW = 32
BPW = 3200
NPAD = NW * BPW
R = 128
NCHUNK = BPW // R
BN = 2048


def _sc_gather(tables8, idx_t):
    mesh = plsc.VectorSubcoreMesh(core_axis_name="c", subcore_axis_name="s")
    nc = 2

    @functools.partial(
        pl.kernel,
        mesh=mesh,
        out_type=jax.ShapeDtypeStruct((EMB_COLS, NPAD), jnp.float32),
        scratch_types=[
            pltpu.VMEM((R,), jnp.int32),
            pltpu.VMEM((R,), jnp.int32),
            pltpu.VMEM((R, 128), jnp.float32),
            pltpu.VMEM((D, R), jnp.float32),
            pltpu.VMEM_SHARED((GPC, 128), jnp.float32),
            pltpu.SemaphoreType.DMA,
        ],
        compiler_params=pltpu.CompilerParams(needs_layout_passes=False),
    )
    def k(t8_hbm, idx_hbm, emb_hbm, idx_v, gidx_v, super_v, packt_v, tab_sh, sem):
        cid = lax.axis_index("c")
        sid = lax.axis_index("s")
        wid = sid * nc + cid
        base = pl.multiple_of(wid * BPW, 128)
        iota16 = lax.iota(jnp.int32, 16)

        def col(c, carry):
            @pl.when(sid == 0)
            def _():
                pltpu.sync_copy(t8_hbm.at[c], tab_sh)

            plsc.subcore_barrier()

            def chunk(r, cc):
                off = pl.multiple_of(base + r * R, 128)
                pltpu.sync_copy(idx_hbm.at[c].at[pl.ds(off, R)], idx_v)

                def prep8(i8, _):
                    v = idx_v[pl.ds(i8 * 16, 16)]
                    gidx_v[pl.ds(i8 * 16, 16)] = v >> 3
                    return _

                lax.fori_loop(0, R // 16, prep8, 0)
                pltpu.async_copy(tab_sh.at[gidx_v], super_v, sem).wait()

                def body(i8, _):
                    rows = i8 * 16 + iota16
                    kv = (idx_v[pl.ds(i8 * 16, 16)] & 7) * 16
                    for d in range(D):
                        vals = plsc.load_gather(super_v, [rows, kv + d])
                        plsc.store_scatter(
                            packt_v,
                            [jnp.broadcast_to(jnp.int32(d), (16,)), rows],
                            vals,
                        )
                    return _

                lax.fori_loop(0, R // 16, body, 0)
                pltpu.sync_copy(
                    packt_v,
                    emb_hbm.at[
                        pl.ds(pl.multiple_of(c * D, 8), D), pl.ds(off, R)
                    ],
                )
                return cc

            lax.fori_loop(0, NCHUNK, chunk, 0)
            plsc.subcore_barrier()
            return carry

        lax.fori_loop(0, NCAT, col, 0)

    return k(tables8, idx_t)


def _mm_body(feat_ref, embt_ref, wf_ref, w2_ref, b_ref, out_ref):
    acc = jnp.dot(feat_ref[...], wf_ref[...], preferred_element_type=jnp.float32)
    acc += lax.dot_general(
        embt_ref[...],
        w2_ref[...],
        dimension_numbers=(((0,), (0,)), ((), ())),
        preferred_element_type=jnp.float32,
    )
    out_ref[...] = acc + b_ref[...]


def _tc_matmul(feat_pad, embt, wf, w2, b):
    return pl.pallas_call(
        _mm_body,
        grid=(NPAD // BN,),
        in_specs=[
            pl.BlockSpec((BN, IN_FEATS), lambda i: (i, 0)),
            pl.BlockSpec((EMB_COLS, BN), lambda i: (0, i)),
            pl.BlockSpec((IN_FEATS, OUT), lambda i: (0, 0)),
            pl.BlockSpec((EMB_COLS, OUT), lambda i: (0, 0)),
            pl.BlockSpec((1, OUT), lambda i: (0, 0)),
        ],
        out_specs=pl.BlockSpec((BN, OUT), lambda i: (i, 0)),
        out_shape=jax.ShapeDtypeStruct((NPAD, OUT), jnp.float32),
    )(feat_pad, embt, wf, w2, b)


def kernel(g, features, tables, W, b):
    idx = features[:, :NCAT].astype(jnp.int32)
    idx_t = jnp.pad(idx.T, ((0, 0), (0, NPAD - N)))
    feat_pad = jnp.pad(features, ((0, NPAD - N), (0, 0)))
    tables8 = tables.reshape(NCAT, GPC, 128)
    wf = jnp.concatenate([jnp.zeros((NCAT, OUT), jnp.float32), W[: IN_FEATS - NCAT]])
    w2 = W[IN_FEATS - NCAT:]

    embt = _sc_gather(tables8, idx_t)
    out = _tc_matmul(feat_pad, embt, wf, w2, b.reshape(1, OUT))
    return out[:N]

# --- scband reference (transcript-rebuilt; emitter-appended) ---
"""Pipeline reference for scband-node-embedding-layer-35089882808746 (READ-ONLY COPY).

The authoritative reference and input builder live on the scoring server;
editing this copy changes nothing except your own understanding.
"""

import jax, jax.numpy as jnp
import numpy as np

N = 100000      # n_nodes
IN_FEATS = 128  # in_feats
NCAT = 26       # number of categorical columns (cols 0..25)
V = 100000      # vocab size per categorical column
D = 16          # embedding_dim
OUT = 128       # out_feats
EMB_SIZE = IN_FEATS + NCAT * (D - 1)  # 128 + 26*15 = 518


def setup_inputs(seed: int = 0) -> dict:
    key = jax.random.key(seed)
    k1, k2, k3 = jax.random.split(key, 3)
    # g is an unused placeholder for the graph object (features are passed explicitly)
    g = jnp.zeros((1,), dtype=jnp.int32)
    # features: first NCAT columns hold categorical ids in [0, V), rest are numerical
    features = jax.random.randint(k1, (N, IN_FEATS), 0, V).astype(jnp.float32)
    # learned params
    tables = jax.random.normal(k2, (NCAT, V, D), dtype=jnp.float32)
    W = jax.random.normal(k3, (EMB_SIZE, OUT), dtype=jnp.float32) * 0.02
    b = jnp.zeros((OUT,), dtype=jnp.float32)
    return {"g": g, "features": features, "tables": tables, "W": W, "b": b}


def reference(g, features, tables, W, b):
    # numerical columns are those NOT in vocab_sizes: cols NCAT..IN_FEATS-1
    numerical = features[:, NCAT:]
    # categorical ids
    idx = features[:, :NCAT].astype(jnp.int32)
    # per-column embedding lookup: tables[c][idx[:, c]] for c in 0..NCAT-1
    emb = jax.vmap(lambda t, i: jnp.take(t, i, axis=0), in_axes=(0, 1), out_axes=1)(tables, idx)  # [N, NCAT, D]
    emb = emb.reshape(emb.shape[0], NCAT * D)
    # torch concat order: numerical first, then embeddings in dict order 0..25
    x = jnp.concatenate([numerical, emb], axis=1)  # [N, EMB_SIZE]
    return x @ W + b

if __name__ == "__main__":
    import jax
    _d = setup_inputs()
    print(jax.jit(kernel)(*tuple(_d.values())))

</pallas_src>

<mosaic_0001>
#map = affine_map<(d0, d1) -> (0, 0, 0)>
#map1 = affine_map<(d0, d1) -> (0, 0)>
module attributes {stable_mosaic.version = 14 : i64} {
  func.func @k(%arg0: i32, %arg1: i32, %arg2: memref<26x12500x128xf32, #tpu.memory_space<hbm>>, %arg3: memref<26x102400xi32, #tpu.memory_space<hbm>>, %arg4: memref<416x102400xf32, #tpu.memory_space<hbm>>, %arg5: memref<128xi32, #tpu.memory_space<vmem>>, %arg6: memref<128xi32, #tpu.memory_space<vmem>>, %arg7: memref<128x128xf32, #tpu.memory_space<vmem>>, %arg8: memref<16x128xf32, #tpu.memory_space<vmem>>, %arg9: memref<12500x128xf32, #tpu.memory_space<vmem_shared>>, %arg10: memref<!tpu.dma_semaphore, #tpu.memory_space<semaphore_mem>>) attributes {dimension_semantics = [#tpu.dimension_semantics<core_parallel>, #tpu.dimension_semantics<subcore_parallel>], iteration_bounds = array<i64: 2, 16>, scalar_prefetch = 0 : i64, scratch_operands = 6 : i64, tpu.core_type = #tpu.core_type<sc_vector_subcore>, window_params = [{transform_indices = #map}, {transform_indices = #map1}, {transform_indices = #map1}]} {
    %mul3A = arith.constant 2 : i32
    %mul3A_0 = arith.muli %arg1, %mul3A : i32
    %add3A = arith.addi %mul3A_0, %arg0 : i32
    %mul3A_1 = arith.constant 3200 : i32
    %mul3A_2 = arith.muli %add3A, %mul3A_1 : i32
    %multiple_of3A = tpu.assume_multiple %mul3A_2, 128 : i32
    %iota3A = tpu.iota {dimensions = array<i32: 0>} : vector<16xi32>
    %scan3A = arith.constant 0 : i32
    %scan3A_3 = arith.constant 0 : i32
    %scan3A_4 = arith.constant 26 : i32
    %scan3A_5 = arith.addi %scan3A_3, %scan3A_4 : i32
    %scan3A_6 = arith.constant 1 : i32
    scf.for %scan3A_8 = %scan3A_3 to %scan3A_5 step %scan3A_6  : i32 {
      %eq3A = arith.constant 0 : i32
      %eq3A_9 = arith.cmpi eq, %arg1, %eq3A : i32
      %convert_element_type3A = arith.extui %eq3A_9 : i1 to i32
      %cond3A = arith.constant 0 : i32
      %cond3A_10 = arith.cmpi ne, %convert_element_type3A, %cond3A : i32
      scf.if %cond3A_10 {
        "tpu.region"() ({
          %run_scoped3A = tpu.sem_alloc : memref<!tpu.dma_semaphore, #tpu.memory_space<semaphore_mem>>
          %dma_start3A = arith.constant 0 : i32
          %dma_start3A_18 = arith.constant 0 : i32
          %dma_start3A_19 = tpu.memref_slice %arg2[%scan3A_8, %dma_start3A, %dma_start3A_18] : memref<26x12500x128xf32, #tpu.memory_space<hbm>> -> memref<1x12500x128xf32, #tpu.memory_space<hbm>>
          %dma_start3A_20 = tpu.memref_squeeze %dma_start3A_19 : memref<1x12500x128xf32, #tpu.memory_space<hbm>> -> memref<12500x128xf32, #tpu.memory_space<hbm>>
          tpu.enqueue_dma source(%dma_start3A_20 : memref<12500x128xf32, #tpu.memory_space<hbm>>) target(%arg9 : memref<12500x128xf32, #tpu.memory_space<vmem_shared>>) target_semaphore(%run_scoped3A : memref<!tpu.dma_semaphore, #tpu.memory_space<semaphore_mem>>)
          %dma_wait3A = arith.constant 0 : i32
          %dma_wait3A_21 = arith.constant 0 : i32
          %dma_wait3A_22 = tpu.memref_slice %arg2[%scan3A_8, %dma_wait3A, %dma_wait3A_21] : memref<26x12500x128xf32, #tpu.memory_space<hbm>> -> memref<1x12500x128xf32, #tpu.memory_space<hbm>>
          %dma_wait3A_23 = tpu.memref_squeeze %dma_wait3A_22 : memref<1x12500x128xf32, #tpu.memory_space<hbm>> -> memref<12500x128xf32, #tpu.memory_space<hbm>>
          tpu.wait_dma2 semaphore(%run_scoped3A : memref<!tpu.dma_semaphore, #tpu.memory_space<semaphore_mem>>) src(%dma_wait3A_23 : memref<12500x128xf32, #tpu.memory_space<hbm>>) dst(%arg9 : memref<12500x128xf32, #tpu.memory_space<vmem_shared>>)
          tpu.yield
        }) : () -> ()
      } else {
      }
      %barrier3A = arith.constant 0 : index
      tpu.barrier barrier_id(%barrier3A)
      %scan3A_11 = arith.constant 0 : i32
      %scan3A_12 = arith.constant 0 : i32
      %scan3A_13 = arith.constant 25 : i32
      %scan3A_14 = arith.addi %scan3A_12, %scan3A_13 : i32
      %scan3A_15 = arith.constant 1 : i32
      scf.for %scan3A_18 = %scan3A_12 to %scan3A_14 step %scan3A_15  : i32 {
        %mul3A_19 = arith.constant 128 : i32
        %mul3A_20 = arith.muli %scan3A_18, %mul3A_19 : i32
        %add3A_21 = arith.addi %multiple_of3A, %mul3A_20 : i32
        %multiple_of3A_22 = tpu.assume_multiple %add3A_21, 128 : i32
        "tpu.region"() ({
          %run_scoped3A = tpu.sem_alloc : memref<!tpu.dma_semaphore, #tpu.memory_space<semaphore_mem>>
          %dma_start3A_42 = arith.constant 0 : i32
          %dma_start3A_43 = tpu.memref_slice %arg3[%scan3A_8, %dma_start3A_42] : memref<26x102400xi32, #tpu.memory_space<hbm>> -> memref<1x102400xi32, #tpu.memory_space<hbm>>
          %dma_start3A_44 = tpu.memref_squeeze %dma_start3A_43 : memref<1x102400xi32, #tpu.memory_space<hbm>> -> memref<102400xi32, #tpu.memory_space<hbm>>
          %dma_start3A_45 = tpu.memref_slice %dma_start3A_44[%multiple_of3A_22] : memref<102400xi32, #tpu.memory_space<hbm>> -> memref<128xi32, #tpu.memory_space<hbm>>
          %dma_start3A_46 = arith.constant 0 : i32
          %dma_start3A_47 = tpu.memref_slice %arg3[%scan3A_8, %dma_start3A_46] : memref<26x102400xi32, #tpu.memory_space<hbm>> -> memref<1x102400xi32, #tpu.memory_space<hbm>>
          %dma_start3A_48 = tpu.memref_squeeze %dma_start3A_47 : memref<1x102400xi32, #tpu.memory_space<hbm>> -> memref<102400xi32, #tpu.memory_space<hbm>>
          %dma_start3A_49 = tpu.memref_slice %dma_start3A_48[%multiple_of3A_22] : memref<102400xi32, #tpu.memory_space<hbm>> -> memref<128xi32, #tpu.memory_space<hbm>>
          tpu.enqueue_dma source(%dma_start3A_49 : memref<128xi32, #tpu.memory_space<hbm>>) target(%arg5 : memref<128xi32, #tpu.memory_space<vmem>>) target_semaphore(%run_scoped3A : memref<!tpu.dma_semaphore, #tpu.memory_space<semaphore_mem>>)
          %dma_wait3A_50 = arith.constant 0 : i32
          %dma_wait3A_51 = tpu.memref_slice %arg3[%scan3A_8, %dma_wait3A_50] : memref<26x102400xi32, #tpu.memory_space<hbm>> -> memref<1x102400xi32, #tpu.memory_space<hbm>>
          %dma_wait3A_52 = tpu.memref_squeeze %dma_wait3A_51 : memref<1x102400xi32, #tpu.memory_space<hbm>> -> memref<102400xi32, #tpu.memory_space<hbm>>
          %dma_wait3A_53 = tpu.memref_slice %dma_wait3A_52[%multiple_of3A_22] : memref<102400xi32, #tpu.memory_space<hbm>> -> memref<128xi32, #tpu.memory_space<hbm>>
          %dma_wait3A_54 = arith.constant 0 : i32
          %dma_wait3A_55 = tpu.memref_slice %arg3[%scan3A_8, %dma_wait3A_54] : memref<26x102400xi32, #tpu.memory_space<hbm>> -> memref<1x102400xi32, #tpu.memory_space<hbm>>
          %dma_wait3A_56 = tpu.memref_squeeze %dma_wait3A_55 : memref<1x102400xi32, #tpu.memory_space<hbm>> -> memref<102400xi32, #tpu.memory_space<hbm>>
          %dma_wait3A_57 = tpu.memref_slice %dma_wait3A_56[%multiple_of3A_22] : memref<102400xi32, #tpu.memory_space<hbm>> -> memref<128xi32, #tpu.memory_space<hbm>>
          tpu.wait_dma2 semaphore(%run_scoped3A : memref<!tpu.dma_semaphore, #tpu.memory_space<semaphore_mem>>) src(%dma_wait3A_57 : memref<128xi32, #tpu.memory_space<hbm>>) dst(%arg5 : memref<128xi32, #tpu.memory_space<vmem>>)
          tpu.yield
        }) : () -> ()
        %scan3A_23 = arith.constant 0 : i32
        %scan3A_24 = arith.constant 0 : i32
        %scan3A_25 = arith.constant 8 : i32
        %scan3A_26 = arith.addi %scan3A_24, %scan3A_25 : i32
        %scan3A_27 = arith.constant 1 : i32
        scf.for %scan3A_42 = %scan3A_24 to %scan3A_26 step %scan3A_27  : i32 {
          %mul3A_43 = arith.constant 16 : i32
          %mul3A_44 = arith.muli %scan3A_42, %mul3A_43 : i32
          %get3A = arith.index_cast %mul3A_44 : i32 to index
          %get3A_45 = tpu.vector_load %arg5[%get3A] {strides = array<i32>} : memref<128xi32, #tpu.memory_space<vmem>>, vector<16xi32>,
          %shift_right_arithmetic3A = arith.constant 3 : i32
          %shift_right_arithmetic3A_46 = vector.broadcast %shift_right_arithmetic3A : i32 to vector<16xi32>
          %shift_right_arithmetic3A_47 = arith.shrsi %get3A_45, %shift_right_arithmetic3A_46 : vector<16xi32>
          %mul3A_48 = arith.constant 16 : i32
          %mul3A_49 = arith.muli %scan3A_42, %mul3A_48 : i32
          %swap3A = arith.index_cast %mul3A_49 : i32 to index
          %swap3A_50 = tpu.vector_load %arg6[%swap3A] {strides = array<i32>} : memref<128xi32, #tpu.memory_space<vmem>>, vector<16xi32>,
          tpu.vector_store %arg6[%swap3A], %shift_right_arithmetic3A_47 {strides = array<i32>} : memref<128xi32, #tpu.memory_space<vmem>>, vector<16xi32>,
        }
        %scan3A_28 = arith.constant 8 : i32
        %dma_start3A = arith.constant 0 : i32
        %dma_start3A_29 = arith.constant 0 : i32
        %dma_start3A_30 = tpu.memref_slice %arg9[%dma_start3A, %dma_start3A_29] : memref<12500x128xf32, #tpu.memory_space<vmem_shared>> -> memref<12500x128xf32, #tpu.memory_space<vmem_shared>>
        tpu.enqueue_indirect_dma source(%dma_start3A_30 : memref<12500x128xf32, #tpu.memory_space<vmem_shared>>) target(%arg7 : memref<128x128xf32, #tpu.memory_space<vmem>>) offsets(%arg6 : memref<128xi32, #tpu.memory_space<vmem>>) semaphore(%arg10 : memref<!tpu.dma_semaphore, #tpu.memory_space<semaphore_mem>>)
        %dma_wait3A = arith.constant 0 : i32
        %dma_wait3A_31 = arith.constant 0 : i32
        %dma_wait3A_32 = tpu.memref_slice %arg9[%dma_wait3A, %dma_wait3A_31] : memref<12500x128xf32, #tpu.memory_space<vmem_shared>> -> memref<12500x128xf32, #tpu.memory_space<vmem_shared>>
        tpu.wait_indirect_dma semaphore(%arg10 : memref<!tpu.dma_semaphore, #tpu.memory_space<semaphore_mem>>) src(%dma_wait3A_32 : memref<12500x128xf32, #tpu.memory_space<vmem_shared>>) dst(%arg7 : memref<128x128xf32, #tpu.memory_space<vmem>>)
        %scan3A_33 = arith.constant 0 : i32
        %scan3A_34 = arith.constant 0 : i32
        %scan3A_35 = arith.constant 8 : i32
        %scan3A_36 = arith.addi %scan3A_34, %scan3A_35 : i32
        %scan3A_37 = arith.constant 1 : i32
        scf.for %scan3A_42 = %scan3A_34 to %scan3A_36 step %scan3A_37  : i32 {
          %mul3A_43 = arith.constant 16 : i32
          %mul3A_44 = arith.muli %scan3A_42, %mul3A_43 : i32
          %add3A_45 = vector.broadcast %mul3A_44 : i32 to vector<16xi32>
          %add3A_46 = arith.addi %add3A_45, %iota3A : vector<16xi32>
          %mul3A_47 = arith.constant 16 : i32
          %mul3A_48 = arith.muli %scan3A_42, %mul3A_47 : i32
          %get3A = arith.index_cast %mul3A_48 : i32 to index
          %get3A_49 = tpu.vector_load %arg5[%get3A] {strides = array<i32>} : memref<128xi32, #tpu.memory_space<vmem>>, vector<16xi32>,
          %and3A = arith.constant 7 : i32
          %and3A_50 = vector.broadcast %and3A : i32 to vector<16xi32>
          %and3A_51 = arith.andi %get3A_49, %and3A_50 : vector<16xi32>
          %mul3A_52 = arith.constant 16 : i32
          %mul3A_53 = vector.broadcast %mul3A_52 : i32 to vector<16xi32>
          %mul3A_54 = arith.muli %and3A_51, %mul3A_53 : vector<16xi32>
          %add3A_55 = arith.constant 0 : i32
          %add3A_56 = vector.broadcast %add3A_55 : i32 to vector<16xi32>
          %add3A_57 = arith.addi %mul3A_54, %add3A_56 : vector<16xi32>
          %gather3A = tpu.vector_load_idx %arg7[%add3A_46, %add3A_57] : memref<128x128xf32, #tpu.memory_space<vmem>>[vector<16xi32>, vector<16xi32>], vector<16xf32>,
          %broadcast_in_dim3A = arith.constant 0 : i32
          %broadcast_in_dim3A_58 = vector.broadcast %broadcast_in_dim3A : i32 to vector<16xi32>
          tpu.vector_store_idx %arg8[%broadcast_in_dim3A_58, %add3A_46], %gather3A : memref<16x128xf32, #tpu.memory_space<vmem>>[vector<16xi32>, vector<16xi32>], vector<16xf32>,
          %add3A_59 = arith.constant 1 : i32
          %add3A_60 = vector.broadcast %add3A_59 : i32 to vector<16xi32>
          %add3A_61 = arith.addi %mul3A_54, %add3A_60 : vector<16xi32>
          %gather3A_62 = tpu.vector_load_idx %arg7[%add3A_46, %add3A_61] : memref<128x128xf32, #tpu.memory_space<vmem>>[vector<16xi32>, vector<16xi32>], vector<16xf32>,
          %broadcast_in_dim3A_63 = arith.constant 1 : i32
          %broadcast_in_dim3A_64 = vector.broadcast %broadcast_in_dim3A_63 : i32 to vector<16xi32>
          tpu.vector_store_idx %arg8[%broadcast_in_dim3A_64, %add3A_46], %gather3A_62 : memref<16x128xf32, #tpu.memory_space<vmem>>[vector<16xi32>, vector<16xi32>], vector<16xf32>,
          %add3A_65 = arith.constant 2 : i32
          %add3A_66 = vector.broadcast %add3A_65 : i32 to vector<16xi32>
          %add3A_67 = arith.addi %mul3A_54, %add3A_66 : vector<16xi32>
          %gather3A_68 = tpu.vector_load_idx %arg7[%add3A_46, %add3A_67] : memref<128x128xf32, #tpu.memory_space<vmem>>[vector<16xi32>, vector<16xi32>], vector<16xf32>,
          %broadcast_in_dim3A_69 = arith.constant 2 : i32
          %broadcast_in_dim3A_70 = vector.broadcast %broadcast_in_dim3A_69 : i32 to vector<16xi32>
          tpu.vector_store_idx %arg8[%broadcast_in_dim3A_70, %add3A_46], %gather3A_68 : memref<16x128xf32, #tpu.memory_space<vmem>>[vector<16xi32>, vector<16xi32>], vector<16xf32>,
          %add3A_71 = arith.constant 3 : i32
          %add3A_72 = vector.broadcast %add3A_71 : i32 to vector<16xi32>
          %add3A_73 = arith.addi %mul3A_54, %add3A_72 : vector<16xi32>
          %gather3A_74 = tpu.vector_load_idx %arg7[%add3A_46, %add3A_73] : memref<128x128xf32, #tpu.memory_space<vmem>>[vector<16xi32>, vector<16xi32>], vector<16xf32>,
          %broadcast_in_dim3A_75 = arith.constant 3 : i32
          %broadcast_in_dim3A_76 = vector.broadcast %broadcast_in_dim3A_75 : i32 to vector<16xi32>
          tpu.vector_store_idx %arg8[%broadcast_in_dim3A_76, %add3A_46], %gather3A_74 : memref<16x128xf32, #tpu.memory_space<vmem>>[vector<16xi32>, vector<16xi32>], vector<16xf32>,
          %add3A_77 = arith.constant 4 : i32
          %add3A_78 = vector.broadcast %add3A_77 : i32 to vector<16xi32>
          %add3A_79 = arith.addi %mul3A_54, %add3A_78 : vector<16xi32>
          %gather3A_80 = tpu.vector_load_idx %arg7[%add3A_46, %add3A_79] : memref<128x128xf32, #tpu.memory_space<vmem>>[vector<16xi32>, vector<16xi32>], vector<16xf32>,
          %broadcast_in_dim3A_81 = arith.constant 4 : i32
          %broadcast_in_dim3A_82 = vector.broadcast %broadcast_in_dim3A_81 : i32 to vector<16xi32>
          tpu.vector_store_idx %arg8[%broadcast_in_dim3A_82, %add3A_46], %gather3A_80 : memref<16x128xf32, #tpu.memory_space<vmem>>[vector<16xi32>, vector<16xi32>], vector<16xf32>,
          %add3A_83 = arith.constant 5 : i32
          %add3A_84 = vector.broadcast %add3A_83 : i32 to vector<16xi32>
          %add3A_85 = arith.addi %mul3A_54, %add3A_84 : vector<16xi32>
          %gather3A_86 = tpu.vector_load_idx %arg7[%add3A_46, %add3A_85] : memref<128x128xf32, #tpu.memory_space<vmem>>[vector<16xi32>, vector<16xi32>], vector<16xf32>,
          %broadcast_in_dim3A_87 = arith.constant 5 : i32
          %broadcast_in_dim3A_88 = vector.broadcast %broadcast_in_dim3A_87 : i32 to vector<16xi32>
          tpu.vector_store_idx %arg8[%broadcast_in_dim3A_88, %add3A_46], %gather3A_86 : memref<16x128xf32, #tpu.memory_space<vmem>>[vector<16xi32>, vector<16xi32>], vector<16xf32>,
          %add3A_89 = arith.constant 6 : i32
          %add3A_90 = vector.broadcast %add3A_89 : i32 to vector<16xi32>
          %add3A_91 = arith.addi %mul3A_54, %add3A_90 : vector<16xi32>
          %gather3A_92 = tpu.vector_load_idx %arg7[%add3A_46, %add3A_91] : memref<128x128xf32, #tpu.memory_space<vmem>>[vector<16xi32>, vector<16xi32>], vector<16xf32>,
          %broadcast_in_dim3A_93 = arith.constant 6 : i32
          %broadcast_in_dim3A_94 = vector.broadcast %broadcast_in_dim3A_93 : i32 to vector<16xi32>
          tpu.vector_store_idx %arg8[%broadcast_in_dim3A_94, %add3A_46], %gather3A_92 : memref<16x128xf32, #tpu.memory_space<vmem>>[vector<16xi32>, vector<16xi32>], vector<16xf32>,
          %add3A_95 = arith.constant 7 : i32
          %add3A_96 = vector.broadcast %add3A_95 : i32 to vector<16xi32>
          %add3A_97 = arith.addi %mul3A_54, %add3A_96 : vector<16xi32>
          %gather3A_98 = tpu.vector_load_idx %arg7[%add3A_46, %add3A_97] : memref<128x128xf32, #tpu.memory_space<vmem>>[vector<16xi32>, vector<16xi32>], vector<16xf32>,
          %broadcast_in_dim3A_99 = arith.constant 7 : i32
          %broadcast_in_dim3A_100 = vector.broadcast %broadcast_in_dim3A_99 : i32 to vector<16xi32>
          tpu.vector_store_idx %arg8[%broadcast_in_dim3A_100, %add3A_46], %gather3A_98 : memref<16x128xf32, #tpu.memory_space<vmem>>[vector<16xi32>, vector<16xi32>], vector<16xf32>,
          %add3A_101 = arith.constant 8 : i32
          %add3A_102 = vector.broadcast %add3A_101 : i32 to vector<16xi32>
          %add3A_103 = arith.addi %mul3A_54, %add3A_102 : vector<16xi32>
          %gather3A_104 = tpu.vector_load_idx %arg7[%add3A_46, %add3A_103] : memref<128x128xf32, #tpu.memory_space<vmem>>[vector<16xi32>, vector<16xi32>], vector<16xf32>,
          %broadcast_in_dim3A_105 = arith.constant 8 : i32
          %broadcast_in_dim3A_106 = vector.broadcast %broadcast_in_dim3A_105 : i32 to vector<16xi32>
          tpu.vector_store_idx %arg8[%broadcast_in_dim3A_106, %add3A_46], %gather3A_104 : memref<16x128xf32, #tpu.memory_space<vmem>>[vector<16xi32>, vector<16xi32>], vector<16xf32>,
          %add3A_107 = arith.constant 9 : i32
          %add3A_108 = vector.broadcast %add3A_107 : i32 to vector<16xi32>
          %add3A_109 = arith.addi %mul3A_54, %add3A_108 : vector<16xi32>
          %gather3A_110 = tpu.vector_load_idx %arg7[%add3A_46, %add3A_109] : memref<128x128xf32, #tpu.memory_space<vmem>>[vector<16xi32>, vector<16xi32>], vector<16xf32>,
          %broadcast_in_dim3A_111 = arith.constant 9 : i32
          %broadcast_in_dim3A_112 = vector.broadcast %broadcast_in_dim3A_111 : i32 to vector<16xi32>
          tpu.vector_store_idx %arg8[%broadcast_in_dim3A_112, %add3A_46], %gather3A_110 : memref<16x128xf32, #tpu.memory_space<vmem>>[vector<16xi32>, vector<16xi32>], vector<16xf32>,
          %add3A_113 = arith.constant 10 : i32
          %add3A_114 = vector.broadcast %add3A_113 : i32 to vector<16xi32>
          %add3A_115 = arith.addi %mul3A_54, %add3A_114 : vector<16xi32>
          %gather3A_116 = tpu.vector_load_idx %arg7[%add3A_46, %add3A_115] : memref<128x128xf32, #tpu.memory_space<vmem>>[vector<16xi32>, vector<16xi32>], vector<16xf32>,
          %broadcast_in_dim3A_117 = arith.constant 10 : i32
          %broadcast_in_dim3A_118 = vector.broadcast %broadcast_in_dim3A_117 : i32 to vector<16xi32>
          tpu.vector_store_idx %arg8[%broadcast_in_dim3A_118, %add3A_46], %gather3A_116 : memref<16x128xf32, #tpu.memory_space<vmem>>[vector<16xi32>, vector<16xi32>], vector<16xf32>,
          %add3A_119 = arith.constant 11 : i32
          %add3A_120 = vector.broadcast %add3A_119 : i32 to vector<16xi32>
          %add3A_121 = arith.addi %mul3A_54, %add3A_120 : vector<16xi32>
          %gather3A_122 = tpu.vector_load_idx %arg7[%add3A_46, %add3A_121] : memref<128x128xf32, #tpu.memory_space<vmem>>[vector<16xi32>, vector<16xi32>], vector<16xf32>,
          %broadcast_in_dim3A_123 = arith.constant 11 : i32
          %broadcast_in_dim3A_124 = vector.broadcast %broadcast_in_dim3A_123 : i32 to vector<16xi32>
          tpu.vector_store_idx %arg8[%broadcast_in_dim3A_124, %add3A_46], %gather3A_122 : memref<16x128xf32, #tpu.memory_space<vmem>>[vector<16xi32>, vector<16xi32>], vector<16xf32>,
          %add3A_125 = arith.constant 12 : i32
          %add3A_126 = vector.broadcast %add3A_125 : i32 to vector<16xi32>
          %add3A_127 = arith.addi %mul3A_54, %add3A_126 : vector<16xi32>
          %gather3A_128 = tpu.vector_load_idx %arg7[%add3A_46, %add3A_127] : memref<128x128xf32, #tpu.memory_space<vmem>>[vector<16xi32>, vector<16xi32>], vector<16xf32>,
          %broadcast_in_dim3A_129 = arith.constant 12 : i32
          %broadcast_in_dim3A_130 = vector.broadcast %broadcast_in_dim3A_129 : i32 to vector<16xi32>
          tpu.vector_store_idx %arg8[%broadcast_in_dim3A_130, %add3A_46], %gather3A_128 : memref<16x128xf32, #tpu.memory_space<vmem>>[vector<16xi32>, vector<16xi32>], vector<16xf32>,
          %add3A_131 = arith.constant 13 : i32
          %add3A_132 = vector.broadcast %add3A_131 : i32 to vector<16xi32>
          %add3A_133 = arith.addi %mul3A_54, %add3A_132 : vector<16xi32>
          %gather3A_134 = tpu.vector_load_idx %arg7[%add3A_46, %add3A_133] : memref<128x128xf32, #tpu.memory_space<vmem>>[vector<16xi32>, vector<16xi32>], vector<16xf32>,
          %broadcast_in_dim3A_135 = arith.constant 13 : i32
          %broadcast_in_dim3A_136 = vector.broadcast %broadcast_in_dim3A_135 : i32 to vector<16xi32>
          tpu.vector_store_idx %arg8[%broadcast_in_dim3A_136, %add3A_46], %gather3A_134 : memref<16x128xf32, #tpu.memory_space<vmem>>[vector<16xi32>, vector<16xi32>], vector<16xf32>,
          %add3A_137 = arith.constant 14 : i32
          %add3A_138 = vector.broadcast %add3A_137 : i32 to vector<16xi32>
          %add3A_139 = arith.addi %mul3A_54, %add3A_138 : vector<16xi32>
          %gather3A_140 = tpu.vector_load_idx %arg7[%add3A_46, %add3A_139] : memref<128x128xf32, #tpu.memory_space<vmem>>[vector<16xi32>, vector<16xi32>], vector<16xf32>,
          %broadcast_in_dim3A_141 = arith.constant 14 : i32
          %broadcast_in_dim3A_142 = vector.broadcast %broadcast_in_dim3A_141 : i32 to vector<16xi32>
          tpu.vector_store_idx %arg8[%broadcast_in_dim3A_142, %add3A_46], %gather3A_140 : memref<16x128xf32, #tpu.memory_space<vmem>>[vector<16xi32>, vector<16xi32>], vector<16xf32>,
          %add3A_143 = arith.constant 15 : i32
          %add3A_144 = vector.broadcast %add3A_143 : i32 to vector<16xi32>
          %add3A_145 = arith.addi %mul3A_54, %add3A_144 : vector<16xi32>
          %gather3A_146 = tpu.vector_load_idx %arg7[%add3A_46, %add3A_145] : memref<128x128xf32, #tpu.memory_space<vmem>>[vector<16xi32>, vector<16xi32>], vector<16xf32>,
          %broadcast_in_dim3A_147 = arith.constant 15 : i32
          %broadcast_in_dim3A_148 = vector.broadcast %broadcast_in_dim3A_147 : i32 to vector<16xi32>
          tpu.vector_store_idx %arg8[%broadcast_in_dim3A_148, %add3A_46], %gather3A_146 : memref<16x128xf32, #tpu.memory_space<vmem>>[vector<16xi32>, vector<16xi32>], vector<16xf32>,
        }
        %scan3A_38 = arith.constant 8 : i32
        %mul3A_39 = arith.constant 16 : i32
        %mul3A_40 = arith.muli %scan3A_8, %mul3A_39 : i32
        %multiple_of3A_41 = tpu.assume_multiple %mul3A_40, 8 : i32
        "tpu.region"() ({
          %run_scoped3A = tpu.sem_alloc : memref<!tpu.dma_semaphore, #tpu.memory_space<semaphore_mem>>
          %dma_start3A_42 = tpu.memref_slice %arg4[%multiple_of3A_41, %multiple_of3A_22] : memref<416x102400xf32, #tpu.memory_space<hbm>> -> memref<16x128xf32, #tpu.memory_space<hbm>>
          %dma_start3A_43 = tpu.memref_slice %arg4[%multiple_of3A_41, %multiple_of3A_22] : memref<416x102400xf32, #tpu.memory_space<hbm>> -> memref<16x128xf32, #tpu.memory_space<hbm>>
          tpu.enqueue_dma source(%arg8 : memref<16x128xf32, #tpu.memory_space<vmem>>) target(%dma_start3A_43 : memref<16x128xf32, #tpu.memory_space<hbm>>) target_semaphore(%run_scoped3A : memref<!tpu.dma_semaphore, #tpu.memory_space<semaphore_mem>>)
          %dma_wait3A_44 = tpu.memref_slice %arg4[%multiple_of3A_41, %multiple_of3A_22] : memref<416x102400xf32, #tpu.memory_space<hbm>> -> memref<16x128xf32, #tpu.memory_space<hbm>>
          %dma_wait3A_45 = tpu.memref_slice %arg4[%multiple_of3A_41, %multiple_of3A_22] : memref<416x102400xf32, #tpu.memory_space<hbm>> -> memref<16x128xf32, #tpu.memory_space<hbm>>
          tpu.wait_dma2 semaphore(%run_scoped3A : memref<!tpu.dma_semaphore, #tpu.memory_space<semaphore_mem>>) src(%arg8 : memref<16x128xf32, #tpu.memory_space<vmem>>) dst(%dma_wait3A_45 : memref<16x128xf32, #tpu.memory_space<hbm>>)
          tpu.yield
        }) : () -> ()
      }
      %scan3A_16 = arith.constant 25 : i32
      %barrier3A_17 = arith.constant 0 : index
      tpu.barrier barrier_id(%barrier3A_17)
    }
    %scan3A_7 = arith.constant 26 : i32
    return
  }
}

module attributes {stable_mosaic.version = 14 : i64} {
  func.func @_mm_body(%arg0: i32, %arg1: memref<2048x128xf32, #tpu.memory_space<vmem>>, %arg2: memref<416x2048xf32, #tpu.memory_space<vmem>>, %arg3: memref<128x128xf32, #tpu.memory_space<vmem>>, %arg4: memref<416x128xf32, #tpu.memory_space<vmem>>, %arg5: memref<1x128xf32, #tpu.memory_space<vmem>>, %arg6: memref<2048x128xf32, #tpu.memory_space<vmem>>) attributes {dimension_semantics = [#tpu.dimension_semantics<arbitrary>], iteration_bounds = array<i64: 50>, scalar_prefetch = 0 : i64, scratch_operands = 0 : i64, tpu.core_type = #tpu.core_type<tc>, window_params = [{transform_indices = @transform_0, window_bounds = array<i64: 2048, 128>}, {transform_indices = @transform_1, window_bounds = array<i64: 416, 2048>}, {pipeline_mode = #tpu.pipeline_mode<synchronous>, transform_indices = @transform_2, window_bounds = array<i64: 128, 128>}, {pipeline_mode = #tpu.pipeline_mode<synchronous>, transform_indices = @transform_3, window_bounds = array<i64: 416, 128>}, {pipeline_mode = #tpu.pipeline_mode<synchronous>, transform_indices = @transform_4, window_bounds = array<i64: 1, 128>}, {transform_indices = @transform_5, window_bounds = array<i64: 2048, 128>}]} {
    %get3A = arith.constant 0 : index
    %get3A_0 = arith.constant 0 : index
    %get3A_1 = vector.load %arg1[%get3A, %get3A_0] : memref<2048x128xf32, #tpu.memory_space<vmem>>, vector<2048x128xf32>
    %get3A_2 = arith.constant 0 : index
    %get3A_3 = arith.constant 0 : index
    %get3A_4 = vector.load %arg3[%get3A_2, %get3A_3] : memref<128x128xf32, #tpu.memory_space<vmem>>, vector<128x128xf32>
    %dot_general3A = arith.constant dense<0.000000e+00> : vector<2048x128xf32>
    %dot_general3A_5 = tpu.matmul %get3A_1, %get3A_4, %dot_general3A {dimension_numbers = #tpu.dot_dimension_numbers<[1], [0], [0], [1], [0, 0, 1, 1], [], []>, transpose_lhs_hint = false} : vector<2048x128xf32>, vector<128x128xf32>, vector<2048x128xf32> -> vector<2048x128xf32>
    %get3A_6 = arith.constant 0 : index
    %get3A_7 = arith.constant 0 : index
    %get3A_8 = vector.load %arg2[%get3A_6, %get3A_7] : memref<416x2048xf32, #tpu.memory_space<vmem>>, vector<416x2048xf32>
    %get3A_9 = arith.constant 0 : index
    %get3A_10 = arith.constant 0 : index
    %get3A_11 = vector.load %arg4[%get3A_9, %get3A_10] : memref<416x128xf32, #tpu.memory_space<vmem>>, vector<416x128xf32>
    %dot_general3A_12 = arith.constant dense<0.000000e+00> : vector<2048x128xf32>
    %dot_general3A_13 = tpu.matmul %get3A_8, %get3A_11, %dot_general3A_12 {dimension_numbers = #tpu.dot_dimension_numbers<[0], [0], [1], [1], [0, 1, 1, 1], [], []>, transpose_lhs_hint = false} : vector<416x2048xf32>, vector<416x128xf32>, vector<2048x128xf32> -> vector<2048x128xf32>
    %add3A = arith.addf %dot_general3A_5, %dot_general3A_13 : vector<2048x128xf32>
    %get3A_14 = arith.constant 0 : index
    %get3A_15 = arith.constant 0 : index
    %get3A_16 = vector.load %arg5[%get3A_14, %get3A_15] : memref<1x128xf32, #tpu.memory_space<vmem>>, vector<1x128xf32>
    %add3A_17 = vector.broadcast %get3A_16 : vector<1x128xf32> to vector<2048x128xf32>
    %add3A_18 = arith.addf %add3A, %add3A_17 : vector<2048x128xf32>
    %swap3A = arith.constant 0 : index
    %swap3A_19 = arith.constant 0 : index
    %swap3A_20 = vector.load %arg6[%swap3A, %swap3A_19] : memref<2048x128xf32, #tpu.memory_space<vmem>>, vector<2048x128xf32>
    tpu.vector_store %arg6[%swap3A, %swap3A_19], %add3A_18 {strides = array<i32>} : memref<2048x128xf32, #tpu.memory_space<vmem>>, vector<2048x128xf32>,
    return
  }
  func.func @transform_0(%arg0: i32) -> (i32, i32) {
    %c0_i32 = arith.constant 0 : i32
    %c0_i32_0 = arith.constant 0 : i32
    return %arg0, %c0_i32 : i32, i32
  }
  func.func @transform_1(%arg0: i32) -> (i32, i32) {
    %c0_i32 = arith.constant 0 : i32
    %c0_i32_0 = arith.constant 0 : i32
    return %c0_i32, %arg0 : i32, i32
  }
  func.func @transform_2(%arg0: i32) -> (i32, i32) {
    %c0_i32 = arith.constant 0 : i32
    %c0_i32_0 = arith.constant 0 : i32
    %c0_i32_1 = arith.constant 0 : i32
    return %c0_i32, %c0_i32_0 : i32, i32
  }
  func.func @transform_3(%arg0: i32) -> (i32, i32) {
    %c0_i32 = arith.constant 0 : i32
    %c0_i32_0 = arith.constant 0 : i32
    %c0_i32_1 = arith.constant 0 : i32
    return %c0_i32, %c0_i32_0 : i32, i32
  }
  func.func @transform_4(%arg0: i32) -> (i32, i32) {
    %c0_i32 = arith.constant 0 : i32
    %c0_i32_0 = arith.constant 0 : i32
    %c0_i32_1 = arith.constant 0 : i32
    return %c0_i32, %c0_i32_0 : i32, i32
  }
  func.func @transform_5(%arg0: i32) -> (i32, i32) {
    %c0_i32 = arith.constant 0 : i32
    %c0_i32_0 = arith.constant 0 : i32
    return %arg0, %c0_i32 : i32, i32
  }
}

</mosaic_0001>

<sc_bundles>
// kernel: kernel.4.cloned.1.call-start
scs
__scs_entry_jumppad:
0x0: {  	(pc) =	sbr.rel $0x88, $3  }
0x1: {  	(tag) =	ssettag $0x0;
	lr =	simm.s32 $0x1  }
0x2: {  	[smem:$0x3F9D] =	sst lr;
	_ =	strace $0xD0000000  }
0x3: {  	_ = 	snop  }
0x4: {  	_ = 	snop  }
0x5: {  	_ = 	snop  }
0x6: {  	_ = 	snop  }
0x7: {  	_ = 	snop  }
__scs_overlays_trampoline_lowered:
0x8: {  	[smem:$0x3FAC] =	sst s0  }
0x9: {  	[smem:$0x3FAD] =	sst s1  }
0xa: {  	[smem:$0x3FAE] =	sst s2  }
0xb: {  	[smem:$0x3FAF] =	sst s3  }
0xc: {  	[smem:$0x3FB0] =	sst s4  }
0xd: {  	[smem:$0x3FB1] =	sst s5  }
0xe: {  	[smem:$0x3FB2] =	sst s6  }
0xf: {  	[smem:$0x3FB3] =	sst s7  }
0x10: {  	[smem:$0x3FB4] =	sst s8  }
0x11: {  	[smem:$0x3FB5] =	sst s9;
	s0 =	simm.s32 @!p0 $0x0  }
0x12: {  	s1 =	sld [smem:$0x3F9B];
	s0 =	simm.s32 @p0 $0x1  }
0x13: {  	[smem:$0x3FB6] =	sst s0;
	s0 =	simm.s32 @!p1 $0x0  }
0x14: {  	s2 =	sld [smem:$0x3F9A];
	s0 =	simm.s32 @p1 $0x1  }
0x15: {  	[smem:$0x3FB7] =	sst s0;
	s0 =	simm.s32 @!p2 $0x0  }
0x16: {  	s3 =	sld [smem:$0x3FDB];
	s0 =	simm.s32 @p2 $0x1  }
0x17: {  	s4 =	simm.s32 $0x1BF5;
	[smem:$0x3FB9] =	sst s0  }
0x18: {  	s0 =	sld [smem:$0x3F9C];
	_ =	swait.ge [sflag:s4], $0x0  }
0x19: {  	s7 =	sld [smem:$0x3F9D]  }
0x1a: {  	s8 =	sadd.s32 $0xFFFFE003, lr  }
0x1b: {  	s9 =	sadd.s32 $0xFFFFFEF7, lr;
	s5 =	simm.s32 $0xFFFFFFFF;
	p2 =	slt.u32 s8, $0xFFFFF086  }
0x1c: {  	p1 =	slt.u32 s9, $0xF7A;
	s5 =	simm.s32 @!p2 $0x0  }
0x1d: {  	s5 =	simm.s32 @p1 $0x1;
	p0 =	seq.s32 s7, s2  }
0x1e: {  	s7 =	smul.u32 @!p0 $0xF7A, s2;
	p2 =	seq.s32 @!p0 s5, $0x0  }
0x1f: {  	s9 =	smul.u32 $0xF7A, s1;
	s8 =	simm.s32 @!p0 $0x1BF5;
	p2 =	por !p2, p0  }
0x20: {  	[sflag:s8] =	ssyncset.s32 @!p0 $0xFFFFF086;
	s6 =	sadd.s32 @!p0 s3, s7;
	s7 =	simm.s32 @!p0 $0x108  }
0x21: {  	s3 =	sadd.s32 s3, s9;
	s6 =	sadd.s32 @!p0 $0x88, s6;
	s7 =	simm.s32 @p2 $0x1082  }
0x22: {  	[simem:s7], [sflag:s8] =	dma.local @!p0 [hbm:s6], $0xF7A  }
0x23: {  	s9 =	sor.u32 $0xD0000000, s2;
	s6 =	simm.s32 $0x108;
	_ =	swait.ge @!p0 [sflag:s8], $0x0  }
0x24: {  	s3 =	sadd.s32 $0x88, s3;
	s6 =	simm.s32 @!p1 $0x1082;
	[sflag:s4] =	ssyncset.s32 $0xFFFFF086  }
0x25: {  	[simem:s6], [sflag:s4] =	dma.local [hbm:s3], $0xF7A  }
0x26: {  	[smem:$0x3F9D] =	sst s1;
	(tag) =	ssettag s2;
	_ =	strace s9  }
0x27: {  	s1 =	sld [smem:$0x3FAD]  }
0x28: {  	s2 =	sld [smem:$0x3FAE]  }
0x29: {  	s4 =	sld [smem:$0x3FB0]  }
0x2a: {  	p0 =	seq.s32 s5, $0x0;
	s5 =	sld [smem:$0x3FB1]  }
0x2b: {  	s6 =	sld [smem:$0x3FB2]  }
0x2c: {  	s7 =	sld [smem:$0x3FB3]  }
0x2d: {  	s3 =	simm.s32 $0x108;
	s8 =	sld [smem:$0x3FB4]  }
0x2e: {  	s3 =	simm.s32 @!p0 $0x1082;
	s9 =	sld [smem:$0x3FB5]  }
0x2f: {  	lr =	sadd.s32 s0, s3;
	s0 =	sld [smem:$0x3FAC]  }
0x30: {  	s3 =	sld [smem:$0x3FAF]  }
0x31: {  	[smem:$0x3FB8] =	sst s10  }
0x32: {  	s10 =	sld [smem:$0x3FB6];
	_ =	sdelay $0x3  }
0x33: {  	p0 =	seq.s32 s10, $0x1;
	s10 =	sld [smem:$0x3FB8];
	_ =	sdelay $0x3  }
0x34: {  	[smem:$0x3FB8] =	sst s10  }
0x35: {  	s10 =	sld [smem:$0x3FB7];
	_ =	sdelay $0x3  }
0x36: {  	p1 =	seq.s32 s10, $0x1;
	s10 =	sld [smem:$0x3FB8];
	_ =	sdelay $0x3  }
0x37: {  	[smem:$0x3FB8] =	sst s10  }
0x38: {  	s10 =	sld [smem:$0x3FB9]  }
0x39: {  	_ = 	snop;
	(pc) =	sbr.ind lr, $3  }
0x3a: {  	_ = 	snop  }
0x3b: {  	_ = 	snop  }
0x3c: {  	p2 =	seq.s32 s10, $0x1;
	s10 =	sld [smem:$0x3FB8]  }
0x3d: {  	_ =	shalt  }
0x3e: {  	_ =	shalt  }
0x3f: {  	_ =	shalt  }
0x40: {  	_ =	shalt  }
0x41: {  	_ =	shalt  }
0x42: {  	_ =	shalt  }
0x43: {  	_ =	shalt  }
0x44: {  	_ =	shalt  }
0x45: {  	_ =	shalt  }
0x46: {  	_ =	shalt  }
0x47: {  	_ =	shalt  }
0x48: {  	_ =	shalt  }
0x49: {  	_ =	shalt  }
0x4a: {  	_ =	shalt  }
0x4b: {  	_ =	shalt  }
0x4c: {  	_ =	shalt  }
0x4d: {  	_ =	shalt  }
0x4e: {  	_ =	shalt  }
0x4f: {  	_ =	shalt  }
0x50: {  	_ =	shalt  }
0x51: {  	_ =	shalt  }
0x52: {  	_ =	shalt  }
0x53: {  	_ =	shalt  }
0x54: {  	_ =	shalt  }
0x55: {  	_ =	shalt  }
0x56: {  	_ =	shalt  }
0x57: {  	_ =	shalt  }
0x58: {  	_ =	shalt  }
0x59: {  	_ =	shalt  }
0x5a: {  	_ =	shalt  }
0x5b: {  	_ =	shalt  }
0x5c: {  	_ =	shalt  }
0x5d: {  	_ =	shalt  }
0x5e: {  	_ =	shalt  }
0x5f: {  	_ =	shalt  }
0x60: {  	_ =	shalt  }
0x61: {  	_ =	shalt  }
0x62: {  	_ =	shalt  }
0x63: {  	_ =	shalt  }
0x64: {  	_ =	shalt  }
0x65: {  	_ =	shalt  }
0x66: {  	_ =	shalt  }
0x67: {  	_ =	shalt  }
0x68: {  	_ =	shalt  }
0x69: {  	_ =	shalt  }
0x6a: {  	_ =	shalt  }
0x6b: {  	_ =	shalt  }
0x6c: {  	_ =	shalt  }
0x6d: {  	_ =	shalt  }
0x6e: {  	_ =	shalt  }
0x6f: {  	_ =	shalt  }
0x70: {  	_ =	shalt  }
0x71: {  	_ =	shalt  }
0x72: {  	_ =	shalt  }
0x73: {  	_ =	shalt  }
0x74: {  	_ =	shalt  }
0x75: {  	_ =	shalt  }
0x76: {  	_ =	shalt  }
0x77: {  	_ =	shalt  }
0x78: {  	_ =	shalt  }
0x79: {  	_ =	shalt  }
0x7a: {  	_ =	shalt  }
0x7b: {  	_ =	shalt  }
0x7c: {  	_ =	shalt  }
0x7d: {  	_ =	shalt  }
0x7e: {  	_ =	shalt  }
0x7f: {  	_ =	shalt  }
0x80: {  	_ =	shalt  }
0x81: {  	_ =	shalt  }
0x82: {  	_ =	shalt  }
0x83: {  	_ =	shalt  }
0x84: {  	_ =	shalt  }
0x85: {  	_ =	shalt  }
0x86: {  	_ =	shalt  }
0x87: {  	_ =	shalt  }
.Lfunc_end0:
.L_simem_size_0:
called_computation_lowered:
.L_overlay_start_0:
0x88: {  	s2 =	sld [smem:$0x3FD9]  }
0x89: {  	s3 =	sld [smem:$0x3FFE];
	_ =	sdelay $0x1  }
0x8a: {  	s1 =	srdreg.scid  }
0x8b: {  	s0 =	sand.u32 $0x1, s1  }
0x8c: {  	s17 =	sshll.u32 s0, $0xA;
	s2 =	sadd.s32 s3, s2  }
0x8d: {  	s2 =	sadd.s32 s2, s17  }
0x8e: {  	[smem:$0x3FC4] =	sst s2  }
0x8f: {  	_ = 	snop  }
0x90: {  	s2 =	sld [smem:$0x3FD0];
	(tm) =	ssettm $0x1  }
0x91: {  	s18 =	sld [smem:$0x3FFB];
	_ =	sdelay $0x3  }
0x92: {  	_ =	strace s18  }
0x93: {  	s3 =	sld [smem:$0x3FFC];
	_ =	sdelay $0x3  }
0x94: {  	_ =	strace s3  }
0x95: {  	s3 =	sld [smem:$0x3FFD];
	_ =	sdelay $0x3  }
0x96: {  	_ =	strace s3  }
0x97: {  	_ =	strace $0x8FFFFFFF  }
0x98: {  	s19 =	sld [smem:$0x3FDB];
	_ =	sdelay $0x1  }
0x99: {  	s4 =	simm.s32 $_scs_section_size  }
0x9a: {  	s5 =	simm.s32 $_size__tile_overlayer_lowered;
	s6 =	simm.s32 $_tile_overlayer_lowered  }
0x9b: {  	s22 =	simm.s32 $0x1BFF;
	s21 =	sshll.u32 s6, $0x1;
	s3 =	sadd.s32 s4, s19  }
0x9c: {  	s7 =	simm.s32 $0x0;
	s20 =	sshll.u32 s5, $0x1;
	s5 =	sadd.s32 s21, s3  }
0x9d: {  	[timem:s7], [sflag:s22] =	dma.local [hbm:s5], s20  }
0x9e: {  	_ =	swait.ge [sflag:s22], s20  }
0x9f: {  	s4 =	ssub.s32 $0x0, s20;
	[sflag:s22] =	ssyncset.done $0x0  }
0xa0: {  	[sflag:s22] =	ssyncadd.s32 s4;
	_ =	sdelay $0x1  }
0xa1: {  	s23 =	simm.s32 $0x1B8B  }
0xa2: {  	_ =	swait.ge [sflag:s23], $0x1  }
0xa3: {  	[sflag:s23] =	ssyncset.done $0x0  }
0xa4: {  	s25 =	simm.s32 $0x1B8E;
	s24 =	sld [smem:$0x3FFE];
	[sflag:s23] =	ssyncadd.s32 $0xFFFFFFFF  }
0xa5: {  	s26 =	simm.s32 $execute0_lowered;
	[smem:$0x3FD2] =	sst s25  }
0xa6: {  	s5 =	sshll.u32 s26, $0x1;
	_ =	strace $0x80000046;
	[dreg:$0x1] =	wrdreg $0xFFFFFFFF  }
0xa7: {  	s28 =	simm.s32 $_size_execute0_lowered;
	s3 =	sadd.s32 s3, s5;
	[dreg:$0x0] =	wrdreg $0x0  }
0xa8: {  	s5 =	sshll.u32 s28, $0x1;
	[dreg:$0x2] =	wrdreg s3  }
0xa9: {  	[dreg:$0x3] =	wrdreg s5  }
0xaa: {  	[dreg:$0x4] =	wrdreg $0xC0  }
0xab: {  	_ =	task [dreg:s7], $0x5FFFF  }
0xac: {  	[dreg:$0x1] =	wrdreg $0xFFFFFFFF  }
0xad: {  	[dreg:$0x0] =	wrdreg $0x60  }
0xae: {  	[dreg:$0x2] =	wrdreg s24  }
0xaf: {  	[dreg:$0x3] =	wrdreg s2  }
0xb0: {  	[dreg:$0x4] =	wrdreg $0x49000  }
0xb1: {  	[dreg:$0x5] =	wrdreg $0x9  }
0xb2: {  	_ =	task.clear_ibuf [dreg:s7], $0x6FFFF;
	_ =	strace $0x90000046  }
0xb3: {  	s29 =	simm.s32 $0x9;
	_ =	strace $0x80000048  }
0xb4: {  	_ =	swait.ge [sflag:s29], $0x1  }
0xb5: {  	[sflag:s29] =	ssyncadd.s32 $0xFFFFFFFF  }
0xb6: {  	_ =	strace $0x90000048  }
0xb7: {  	_ =	sfence  }
0xb8: {  	s30 =	sld [smem:$0x0];
	_ =	sdelay $0x2  }
0xb9: {  	s31 =	sshll.u32 s1, $0xD;
	s1 =	sshrl.u32 s1, $0x2  }
0xba: {  	s3 =	sand.u32 $0x4000, s31;
	s1 =	sadd.s32 s1, s30  }
0xbb: {  	s0 =	sor.u32 s3, s0;
	s1 =	sshll.u32 s1, $0x11  }
0xbc: {  	s0 =	sor.u32 s1, s0  }
0xbd: {  	s0 =	sadd.s32 $0x8F2B, s0  }
0xbe: {  	[sflag:s0] =	ssyncadd.remote.s32 $0x1  }
0xbf: {  	_ =	sfence.sel $0xFFFF  }
0xc0: {  	[dreg:$0x0] =	wrdreg $0xFFFFFFFF;
	(pc) =	sbr.abs _section_cstart, $3  }
0xc1: {  	[dreg:$0x1] =	wrdreg $0xFFFFFFFF  }
0xc2: {  	_ =	task.clear_ibuf [dreg:s7], $0x2FFFF;
	_ =	strace $0x9FFFFFFF  }
0xc3: {  	(tm) =	ssettm $0x7FFFFFFF  }
tec
execute0_lowered:
.L_overlay_start_1:
0x0: {  	(tag) =	ssettag $0x1  }
0x1: {  	s5 =	rddreg [dreg:$0x0]  }
0x2: {  	s1 =	rddreg [dreg:$0x1]  }
0x3: {  	s2 =	rddreg [dreg:$0x2]  }
0x4: {  	s0 =	rddreg [dreg:$0x3]  }
0x5: {  	s3 =	simm.s32 $0x0;
	s4 =	srdreg.scid;
	s7 =	stileid.u32  }
0x6: {  	s11 =	simm.s32 $0x100;
	s12 =	simm.s32 $0x1;
	s13 =	simm.s32 $0x4100  }
0x7: {  	v0 =	vlaneseq.u32;
	s14 =	simm.s32 $0x400;
	s15 =	simm.s32 $0xC8000;
	[smem:$0x7FF] =	sst s3  }
0x8: {  	s6 =	sand.u32 $0x1, s4;
	s4 =	sadd.s32 $0x27AD000, s5;
	s9 =	sshll.u32 s7, $0x1;
	v1 =	vor.u32 $0x80, v0;
	v2 =	vor.u32 $0x100, v0;
	v3 =	vor.u32 $0x180, v0  }
0x9: {  	s5 =	sadd.s32 $0xC00, s5;
	p0 =	sne.s32 s7, $0x0;
	v4 =	vor.u32 $0x200, v0;
	v5 =	vor.u32 $0x280, v0;
	v6 =	vor.u32 $0x300, v0;
	s8 =	ssub.s32 $0x2, s6  }
0xa: {  	v7 =	vor.u32 $0x380, v0;
	v8 =	vor.u32 $0x400, v0;
	v9 =	vor.u32 $0x480, v0;
	_ =	strace $0x80000047;
	s6 =	sor.u32 s6, s9;
	s10 =	sshrl.u32 s8, $0x1  }
0xb: {  	v10 =	vor.u32 $0x500, v0;
	v11 =	vor.u32 $0x580, v0;
	v12 =	vor.u32 $0x600, v0;
	s9 =	simm.s32 $0x2;
	s6 =	smul.u32 $0x19, s6;
	s8 =	ssub.s32 s8, s10  }
0xc: {  	v13 =	vor.u32 $0x680, v0;
	v14 =	vor.u32 $0x700, v0;
	v15 =	vor.u32 $0x780, v0;
	s10 =	simm.s32 $0x80;
	s7 =	smax.u32 s8, $0x1;
	s8 =	sshrl.u32 @!p0 s2, $0x3  }
.LBB2_1:
0xd: {  	s16 =	simm.s32 $0x0  }
.LBB2_2:
0xe: {  	s17 =	smul.u32 @!p0 $0x30D80, s16;
	_ =	sdelay $0x1  }
0xf: {  	s18 =	simm.s32 @!p0 $0x1C02;
	s31 =	sshrl.u32 s16, $0x3;
	s17 =	sadd.s32 @!p0 s4, s17  }
0x10: {  	[spmem:s8], [sflag:s18] =	dma.local @!p0 [hbm:s17], $0x30D40  }
0x11: {  	s19 =	sshll.u32 s16, $0x7;
	s18 =	simm.s32 @!p0 $0x2;
	s17 =	smul.u32 $0xC8000, s31  }
0x12: {  	s19 =	sand.u32 $0x380, s19;
	_ =	swait.ge @!p0 [sflag:s18], $0x30D40  }
0x13: {  	s20 =	simm.s32 $0x0;
	[sflag:s18] =	ssyncset.done @!p0 $0x0;
	s17 =	sor.u32 s19, s17  }
0x14: {  	s19 =	simm.s32 $0x0;
	[sflag:s18] =	ssyncadd.s32 @!p0 $0xFFFCF2C0;
	s17 =	sshrl.u32 s17, $0x3  }
0x15: {  	s18 =	smul.u32 $0x190000, s16;
	[bflag:$0x0] =	sbarrier.arrive $0xFFFF;
	s17 =	sadd.s32 s1, s17  }
.LBB2_3:
0x16: {  	s21 =	sadd.s32 s6, s20  }
0x17: {  	s22 =	sshll.u32 s21, $0x7  }
0x18: {  	s22 =	sadd.s32 s22, s17  }
0x19: {  	[tilespmem:s19], [sflag:$0x2] =	stream.linear.gather [hbm4b:s22+s19], $0x80, $0x38;
	[tilespmem:$0x1CFA0] =	vst v63  }
0x1a: {  	_ =	swait.ge [sflag:s9], $0x80  }
0x1b: {  	[sflag:s9] =	ssyncset.done $0x0  }
0x1c: {  	[sflag:s9] =	ssyncadd.s32 $0xFFFFFF80  }
0x1d: {  	v16 =	vld [tilespmem:$0x0]  }
0x1e: {  	v17 =	vld [tilespmem:$0x10]  }
0x1f: {  	v18 =	vld [tilespmem:$0x20]  }
0x20: {  	v19 =	vld [tilespmem:$0x30]  }
0x21: {  	v20 =	vld [tilespmem:$0x40]  }
0x22: {  	v21 =	vld [tilespmem:$0x50];
	v16 =	vshra.s32 v16, $0x3  }
0x23: {  	[tilespmem:$0x80] =	vst v16;
	v16 =	vshra.s32 v17, $0x3;
	v17 =	vld [tilespmem:$0x60]  }
0x24: {  	[tilespmem:$0x90] =	vst v16;
	v16 =	vshra.s32 v18, $0x3;
	v18 =	vld [tilespmem:$0x70]  }
0x25: {  	[tilespmem:$0xA0] =	vst v16;
	v16 =	vshra.s32 v19, $0x3  }
0x26: {  	[tilespmem:$0xB0] =	vst v16;
	v16 =	vshra.s32 v20, $0x3  }
0x27: {  	[tilespmem:$0xC0] =	vst v16;
	v16 =	vshra.s32 v21, $0x3  }
0x28: {  	[tilespmem:$0xD0] =	vst v16;
	v16 =	vshra.s32 v17, $0x3  }
0x29: {  	[tilespmem:$0xE0] =	vst v16;
	v16 =	vshra.s32 v18, $0x3  }
0x2a: {  	[tilespmem:$0xF0] =	vst v16  }
0x2b: {  	[tilespmem:s11], [sflag:$0x1] =	stream.indirect.gather [spmem:s2], $0x80, s10, s10, $0xb8;
	[tilespmem:$0x1CFA0] =	vst v63  }
0x2c: {  	_ =	swait.ge [sflag:s12], $0x4000  }
0x2d: {  	[sflag:s12] =	ssyncset.done $0x0  }
0x2e: {  	[sflag:s12] =	ssyncadd.s32 $0xFFFFC000  }
0x2f: {  	v16 =	vld [tilespmem:s19+$0x0];
	_ =	sdelay $0x4  }
0x30: {  	v17 =	vor.u32 s19, v0;
	v16 =	vshll.u32 v16, $0x4  }
0x31: {  	v18 =	vshll.u32 v17, $0x7;
	v16 =	vand.u32 $0x70, v16  }
0x32: {  	v16 =	vor.u32 v18, v16;
	_ =	sdelay $0x4  }
0x33: {  	v18 =	vld.idx.msk [tilespmem:v16+s11+$0x0], $0xffff  }
0x34: {  	v19 =	vor.u32 $0x1, v16;
	_ =	sdelay $0x3  }
0x35: {  	[tilespmem:v17+s13+$0x0] =	vst.idx.msk $0xffff, v18  }
0x36: {  	v18 =	vor.u32 s19, v1;
	v17 =	vld.idx.msk [tilespmem:v19+s11+$0x0], $0xffff  }
0x37: {  	v19 =	vor.u32 $0x2, v16;
	_ =	sdelay $0x3  }
0x38: {  	[tilespmem:v18+s13+$0x0] =	vst.idx.msk $0xffff, v17  }
0x39: {  	v18 =	vor.u32 s19, v2;
	v17 =	vld.idx.msk [tilespmem:v19+s11+$0x0], $0xffff  }
0x3a: {  	v19 =	vor.u32 $0x3, v16;
	_ =	sdelay $0x3  }
0x3b: {  	[tilespmem:v18+s13+$0x0] =	vst.idx.msk $0xffff, v17  }
0x3c: {  	v18 =	vor.u32 s19, v3;
	v17 =	vld.idx.msk [tilespmem:v19+s11+$0x0], $0xffff  }
0x3d: {  	v19 =	vor.u32 $0x4, v16;
	_ =	sdelay $0x3  }
0x3e: {  	[tilespmem:v18+s13+$0x0] =	vst.idx.msk $0xffff, v17  }
0x3f: {  	v18 =	vor.u32 s19, v4;
	v17 =	vld.idx.msk [tilespmem:v19+s11+$0x0], $0xffff  }
0x40: {  	v19 =	vor.u32 $0x5, v16;
	_ =	sdelay $0x3  }
0x41: {  	[tilespmem:v18+s13+$0x0] =	vst.idx.msk $0xffff, v17  }
0x42: {  	v18 =	vor.u32 s19, v5;
	v17 =	vld.idx.msk [tilespmem:v19+s11+$0x0], $0xffff  }
0x43: {  	v19 =	vor.u32 $0x6, v16;
	_ =	sdelay $0x3  }
0x44: {  	[tilespmem:v18+s13+$0x0] =	vst.idx.msk $0xffff, v17  }
0x45: {  	v18 =	vor.u32 s19, v6;
	v17 =	vld.idx.msk [tilespmem:v19+s11+$0x0], $0xffff  }
0x46: {  	v19 =	vor.u32 $0x7, v16;
	_ =	sdelay $0x3  }
0x47: {  	[tilespmem:v18+s13+$0x0] =	vst.idx.msk $0xffff, v17  }
0x48: {  	v18 =	vor.u32 s19, v7;
	v17 =	vld.idx.msk [tilespmem:v19+s11+$0x0], $0xffff  }
0x49: {  	v19 =	vor.u32 $0x8, v16;
	_ =	sdelay $0x3  }
0x4a: {  	[tilespmem:v18+s13+$0x0] =	vst.idx.msk $0xffff, v17  }
0x4b: {  	v18 =	vor.u32 s19, v8;
	v17 =	vld.idx.msk [tilespmem:v19+s11+$0x0], $0xffff  }
0x4c: {  	v19 =	vor.u32 $0x9, v16;
	_ =	sdelay $0x3  }
0x4d: {  	[tilespmem:v18+s13+$0x0] =	vst.idx.msk $0xffff, v17  }
0x4e: {  	v18 =	vor.u32 s19, v9;
	v17 =	vld.idx.msk [tilespmem:v19+s11+$0x0], $0xffff  }
0x4f: {  	v19 =	vor.u32 $0xA, v16;
	_ =	sdelay $0x3  }
0x50: {  	[tilespmem:v18+s13+$0x0] =	vst.idx.msk $0xffff, v17  }
0x51: {  	v18 =	vor.u32 s19, v10;
	v17 =	vld.idx.msk [tilespmem:v19+s11+$0x0], $0xffff  }
0x52: {  	v19 =	vor.u32 $0xB, v16;
	_ =	sdelay $0x3  }
0x53: {  	[tilespmem:v18+s13+$0x0] =	vst.idx.msk $0xffff, v17  }
0x54: {  	v18 =	vor.u32 s19, v11;
	v17 =	vld.idx.msk [tilespmem:v19+s11+$0x0], $0xffff  }
0x55: {  	v19 =	vor.u32 $0xC, v16;
	_ =	sdelay $0x3  }
0x56: {  	[tilespmem:v18+s13+$0x0] =	vst.idx.msk $0xffff, v17  }
0x57: {  	v18 =	vor.u32 s19, v12;
	v17 =	vld.idx.msk [tilespmem:v19+s11+$0x0], $0xffff  }
0x58: {  	v19 =	vor.u32 $0xD, v16;
	_ =	sdelay $0x3  }
0x59: {  	[tilespmem:v18+s13+$0x0] =	vst.idx.msk $0xffff, v17  }
0x5a: {  	v18 =	vor.u32 s19, v13;
	v17 =	vld.idx.msk [tilespmem:v19+s11+$0x0], $0xffff  }
0x5b: {  	v19 =	vor.u32 $0xE, v16;
	_ =	sdelay $0x3  }
0x5c: {  	[tilespmem:v18+s13+$0x0] =	vst.idx.msk $0xffff, v17  }
0x5d: {  	v18 =	vor.u32 s19, v14;
	v17 =	vld.idx.msk [tilespmem:v19+s11+$0x0], $0xffff  }
0x5e: {  	v16 =	vor.u32 $0xF, v16;
	_ =	sdelay $0x3  }
0x5f: {  	[tilespmem:v18+s13+$0x0] =	vst.idx.msk $0xffff, v17  }
0x60: {  	s23 =	simm.s32 $0x0;
	s22 =	simm.s32 $0x10;
	v17 =	vor.u32 s19, v15;
	v16 =	vld.idx.msk [tilespmem:v16+s11+$0x0], $0xffff  }
.LBB2_4:
0x61: {  	_ =	sdelay $0x2  }
0x62: {  	p1 =	sne.s32 s22, $0x70  }
0x63: {  	s23 =	sadd.s32 $0x10, s23;
	s24 =	smov.u32 s22;
	s22 =	sadd.s32 $0x10, s22;
	[tilespmem:v17+s13+$0x0] =	vst.idx.msk $0xffff, v16  }
0x64: {  	v16 =	vld [tilespmem:s23+$0x0];
	_ =	sdelay $0x4  }
0x65: {  	v17 =	vor.u32 s24, v0;
	v16 =	vshll.u32 v16, $0x4  }
0x66: {  	v18 =	vshll.u32 v17, $0x7;
	v16 =	vand.u32 $0x70, v16  }
0x67: {  	v16 =	vor.u32 v18, v16;
	_ =	sdelay $0x4  }
0x68: {  	v18 =	vld.idx.msk [tilespmem:v16+s11+$0x0], $0xffff;
	_ =	sdelay $0x1  }
0x69: {  	v19 =	vor.u32 $0x1, v16;
	_ =	sdelay $0x3  }
0x6a: {  	[tilespmem:v17+s13+$0x0] =	vst.idx.msk $0xffff, v18  }
0x6b: {  	v17 =	vld.idx.msk [tilespmem:v19+s11+$0x0], $0xffff  }
0x6c: {  	v18 =	vor.u32 s24, v1  }
0x6d: {  	v19 =	vor.u32 $0x2, v16;
	_ =	sdelay $0x3  }
0x6e: {  	[tilespmem:v18+s13+$0x0] =	vst.idx.msk $0xffff, v17  }
0x6f: {  	v17 =	vld.idx.msk [tilespmem:v19+s11+$0x0], $0xffff  }
0x70: {  	v18 =	vor.u32 s24, v2  }
0x71: {  	v19 =	vor.u32 $0x3, v16;
	_ =	sdelay $0x3  }
0x72: {  	[tilespmem:v18+s13+$0x0] =	vst.idx.msk $0xffff, v17  }
0x73: {  	v17 =	vld.idx.msk [tilespmem:v19+s11+$0x0], $0xffff  }
0x74: {  	v18 =	vor.u32 s24, v3  }
0x75: {  	v19 =	vor.u32 $0x4, v16;
	_ =	sdelay $0x3  }
0x76: {  	[tilespmem:v18+s13+$0x0] =	vst.idx.msk $0xffff, v17  }
0x77: {  	v17 =	vld.idx.msk [tilespmem:v19+s11+$0x0], $0xffff  }
0x78: {  	v18 =	vor.u32 s24, v4  }
0x79: {  	v19 =	vor.u32 $0x5, v16;
	_ =	sdelay $0x3  }
0x7a: {  	[tilespmem:v18+s13+$0x0] =	vst.idx.msk $0xffff, v17  }
0x7b: {  	v17 =	vld.idx.msk [tilespmem:v19+s11+$0x0], $0xffff  }
0x7c: {  	v18 =	vor.u32 s24, v5  }
0x7d: {  	v19 =	vor.u32 $0x6, v16;
	_ =	sdelay $0x3  }
0x7e: {  	[tilespmem:v18+s13+$0x0] =	vst.idx.msk $0xffff, v17  }
0x7f: {  	v17 =	vld.idx.msk [tilespmem:v19+s11+$0x0], $0xffff  }
0x80: {  	v18 =	vor.u32 s24, v6  }
0x81: {  	v19 =	vor.u32 $0x7, v16;
	_ =	sdelay $0x3  }
0x82: {  	[tilespmem:v18+s13+$0x0] =	vst.idx.msk $0xffff, v17  }
0x83: {  	v17 =	vld.idx.msk [tilespmem:v19+s11+$0x0], $0xffff  }
0x84: {  	v18 =	vor.u32 s24, v7  }
0x85: {  	v19 =	vor.u32 $0x8, v16;
	_ =	sdelay $0x3  }
0x86: {  	[tilespmem:v18+s13+$0x0] =	vst.idx.msk $0xffff, v17  }
0x87: {  	v17 =	vld.idx.msk [tilespmem:v19+s11+$0x0], $0xffff  }
0x88: {  	v18 =	vor.u32 s24, v8  }
0x89: {  	v19 =	vor.u32 $0x9, v16;
	_ =	sdelay $0x3  }
0x8a: {  	[tilespmem:v18+s13+$0x0] =	vst.idx.msk $0xffff, v17  }
0x8b: {  	v17 =	vld.idx.msk [tilespmem:v19+s11+$0x0], $0xffff  }
0x8c: {  	v18 =	vor.u32 s24, v9  }
0x8d: {  	v19 =	vor.u32 $0xA, v16;
	_ =	sdelay $0x3  }
0x8e: {  	[tilespmem:v18+s13+$0x0] =	vst.idx.msk $0xffff, v17  }
0x8f: {  	v17 =	vld.idx.msk [tilespmem:v19+s11+$0x0], $0xffff  }
0x90: {  	v18 =	vor.u32 s24, v10  }
0x91: {  	v19 =	vor.u32 $0xB, v16;
	_ =	sdelay $0x3  }
0x92: {  	[tilespmem:v18+s13+$0x0] =	vst.idx.msk $0xffff, v17  }
0x93: {  	v17 =	vld.idx.msk [tilespmem:v19+s11+$0x0], $0xffff  }
0x94: {  	v18 =	vor.u32 s24, v11  }
0x95: {  	v19 =	vor.u32 $0xC, v16;
	_ =	sdelay $0x3  }
0x96: {  	[tilespmem:v18+s13+$0x0] =	vst.idx.msk $0xffff, v17  }
0x97: {  	v17 =	vld.idx.msk [tilespmem:v19+s11+$0x0], $0xffff  }
0x98: {  	v18 =	vor.u32 s24, v12  }
0x99: {  	v19 =	vor.u32 $0xD, v16;
	_ =	sdelay $0x3  }
0x9a: {  	[tilespmem:v18+s13+$0x0] =	vst.idx.msk $0xffff, v17  }
0x9b: {  	v17 =	vld.idx.msk [tilespmem:v19+s11+$0x0], $0xffff  }
0x9c: {  	v18 =	vor.u32 s24, v13  }
0x9d: {  	v19 =	vor.u32 $0xE, v16;
	_ =	sdelay $0x3  }
0x9e: {  	[tilespmem:v18+s13+$0x0] =	vst.idx.msk $0xffff, v17  }
0x9f: {  	v17 =	vld.idx.msk [tilespmem:v19+s11+$0x0], $0xffff  }
0xa0: {  	v18 =	vor.u32 s24, v14  }
0xa1: {  	v16 =	vor.u32 $0xF, v16;
	_ =	sdelay $0x1  }
.Ltmp0:
0xa2: {  	(pc) =	sbr.rel @p1 .LBB2_4-.Ltmp0, $4  }
0xa3: {  	_ = 	snop  }
0xa4: {  	[tilespmem:v18+s13+$0x0] =	vst.idx.msk $0xffff, v17  }
0xa5: {  	v16 =	vld.idx.msk [tilespmem:v16+s11+$0x0], $0xffff  }
0xa6: {  	v17 =	vor.u32 s24, v15  }
0xa7: {  	_ = 	snop  }
0xa8: {  	s21 =	sshll.u32 s21, $0xA  }
0xa9: {  	s20 =	sadd.s32 $0x1, s20;
	s21 =	sadd.s32 s18, s21  }
0xaa: {  	p1 =	sne.s32 s20, $0x19;
	s21 =	sshrl.u32 s21, $0x3  }
.Ltmp1:
0xab: {  	[tilespmem:v17+s13+$0x0] =	vst.idx.msk $0xffff, v16;
	s21 =	sadd.s32 s5, s21;
	(pc) =	sbr.rel @p1 .LBB2_3-.Ltmp1, $4  }
0xac: {  	[hbm4b:s21+s14] =	stream.strided.scatter [tilespmem:s13], [sflag:$0x2], $0x800, s15, s14, $0x38;
	[tilespmem:$0x1CFA0] =	vst v63  }
0xad: {  	_ =	swait.ge [sflag:s9], $0x800  }
0xae: {  	[sflag:s9] =	ssyncset.done $0x0  }
0xaf: {  	[sflag:s9] =	ssyncadd.s32 $0xFFFFF800  }
0xb0: {  	s16 =	sadd.s32 $0x1, s16  }
0xb1: {  	p1 =	sne.s32 s16, $0x1A  }
.Ltmp2:
0xb2: {  	_ = 	snop;
	(pc) =	sbr.rel @p1 .LBB2_2-.Ltmp2, $2  }
0xb3: {  	_ =	sdelay $0x1  }
0xb4: {  	[bflag:$0x0] =	sbarrier.arrive $0xFFFF;
	_ =	sdelay $0x1  }
0xb5: {  	s3 =	sadd.s32 $0x1, s3  }
0xb6: {  	p1 =	sne.s32 s3, s7  }
.Ltmp3:
0xb7: {  	_ = 	snop;
	(pc) =	sbr.rel @p1 .LBB2_1-.Ltmp3, $1  }
0xb8: {  	_ =	sdelay $0x3  }
0xb9: {  	_ =	sfence.sel $0x180000  }
0xba: {  	[bflag:$0x0] =	sbarrier.arrive $0xFFFF  }
0xbb: {  	_ =	strace $0x90000047  }
0xbc: {  	s0 =	sadd.s32 @!p0 $0x100000, s0;
	[bflag:$0x2] =	sbarrier.arrive $0xFFFF  }
0xbd: {  	[sflag:s0] =	ssyncadd.tile.s32 @!p0 $0x1;
	_ =	shalt  }
.Lfunc_end2:
_tile_overlayer_lowered:
.L_overlay_start_2:
0xbe: {  	(tag) =	ssettag $0x2  }
0xbf: {  	s0 =	rddreg [dreg:$0x0];
	s2 =	stileid.u32  }
0xc0: {  	s1 =	rddreg [dreg:$0x1];
	p0 =	sne.s32 s2, $0x0  }
0xc1: {  	s3 =	rddreg [dreg:$0x2];
	[bflag:$0x3] =	sbarrier.arrive $0xFFFF;
	s2 =	simm.s32 @!p0 $0x1C02  }
0xc2: {  	[timem:s3], [sflag:s2] =	dma.local @!p0 [hbm:s0], s1  }
0xc3: {  	s0 =	simm.s32 @!p0 $0x2  }
0xc4: {  	_ =	swait.ge @!p0 [sflag:s0], s1  }
0xc5: {  	s1 =	ssub.s32 @!p0 $0x0, s1;
	[sflag:s0] =	ssyncset.done @!p0 $0x0  }
0xc6: {  	[sflag:s0] =	ssyncadd.s32 @!p0 s1  }
0xc7: {  	[bflag:$0x3] =	sbarrier.arrive $0xFFFF  }
0xc8: {  	_ =	shalt  }

</sc_bundles>
